<compile_context>
chip_gen: v7x
topology: tpu7x:2x2x1
jax: 0.10.2.dev20260603
libtpu: 0.0.44.dev20260713+nightly
codegen_flags: <defaults>
</compile_context>

<pallas_src>
import functools

import jax
import jax.numpy as jnp
import numpy as np
from jax import lax
from jax.experimental import pallas as pl
from jax.experimental.pallas import tpu as pltpu
from jax.experimental.pallas import tpu_sc as plsc

N_VOCAB = 1000000
D_MODEL = 64
BATCH = 1024
SEQ_LEN = 200

_NW = 32
_TOTAL = BATCH * SEQ_LEN
_PER_W = _TOTAL // _NW
_CHUNK = 400
_NCHUNK = _PER_W // _CHUNK
_SUB = 80
_NSUB = _CHUNK // _SUB


def _pe_table():
    pos = np.arange(SEQ_LEN, dtype=np.float32)[:, None]
    div = np.exp(np.arange(0, D_MODEL, 2, dtype=np.float32)
                 * (-np.log(10000.0) / D_MODEL))
    pe = np.zeros((SEQ_LEN, D_MODEL), dtype=np.float32)
    pe[:, 0::2] = np.sin(pos * div)
    pe[:, 1::2] = np.cos(pos * div)
    return jnp.asarray(pe)


def _sc_embed(idx_flat, table, pe):
    mesh = plsc.VectorSubcoreMesh(core_axis_name="c", subcore_axis_name="s")

    @functools.partial(
        pl.kernel,
        out_type=jax.ShapeDtypeStruct((_TOTAL, D_MODEL), jnp.float32),
        mesh=mesh,
        scratch_types=[
            pltpu.VMEM((_PER_W,), jnp.int32),
            pltpu.VMEM((SEQ_LEN, D_MODEL), jnp.float32),
            pltpu.VMEM((_CHUNK, D_MODEL), jnp.float32),
            pltpu.SemaphoreType.DMA,
        ],
        compiler_params=pltpu.CompilerParams(use_tc_tiling_on_sc=False),
    )
    def k(table_hbm, idx_hbm, pe_hbm, out_hbm, idx_v, pe_v, buf, sem):
        wid = lax.axis_index("s") * 2 + lax.axis_index("c")
        base = wid * _PER_W
        pltpu.sync_copy(idx_hbm.at[pl.ds(base, _PER_W)], idx_v)
        pltpu.sync_copy(pe_hbm, pe_v)

        def chunk_body(g, carry):
            row0 = g * _CHUNK
            copies = []
            for j in range(_NSUB):
                copies.append(pltpu.async_copy(
                    table_hbm.at[idx_v.at[pl.ds(row0 + j * _SUB, _SUB)]],
                    buf.at[pl.ds(j * _SUB, _SUB)],
                    sem))
            for c in copies:
                c.wait()

            def pe_body(s, c2):
                for d in range(D_MODEL // 16):
                    pev = pe_v[s, pl.ds(d * 16, 16)]
                    for rep in range(_CHUNK // SEQ_LEN):
                        r = rep * SEQ_LEN + s
                        buf[r, pl.ds(d * 16, 16)] = buf[r, pl.ds(d * 16, 16)] + pev
                return c2
            lax.fori_loop(0, SEQ_LEN, pe_body, 0)

            pltpu.sync_copy(buf, out_hbm.at[pl.ds(base + row0, _CHUNK)])
            return carry
        lax.fori_loop(0, _NCHUNK, chunk_body, 0)

    return k(table, idx_flat, pe)


def kernel(input_idx, table):
    idx_flat = input_idx.reshape(_TOTAL).astype(jnp.int32)
    out = _sc_embed(idx_flat, table, _pe_table())
    return out.reshape(BATCH, SEQ_LEN, D_MODEL)

# --- scband reference (transcript-rebuilt; emitter-appended) ---
"""Pipeline reference for scband-fus-embeddings-146028888448 (READ-ONLY COPY).

The authoritative reference and input builder live on the scoring server;
editing this copy changes nothing except your own understanding.
"""

import jax, jax.numpy as jnp
import numpy as np

N_VOCAB = 1000000
D_MODEL = 64
BATCH = 1024
SEQ_LEN = 200


def _positional_encoding(seq_len, d_model):
    pos = jnp.arange(seq_len, dtype=jnp.float32)[:, None]
    div = jnp.exp(jnp.arange(0, d_model, 2, dtype=jnp.float32) * (-np.log(10000.0) / d_model))
    pe = jnp.zeros((seq_len, d_model), dtype=jnp.float32)
    pe = pe.at[:, 0::2].set(jnp.sin(pos * div))
    pe = pe.at[:, 1::2].set(jnp.cos(pos * div))
    return pe


def setup_inputs(seed: int = 0) -> dict:
    key = jax.random.key(seed)
    k1, k2 = jax.random.split(key)
    input_idx = jax.random.randint(k1, (BATCH, SEQ_LEN), 0, N_VOCAB, dtype=jnp.int64 if jax.config.jax_enable_x64 else jnp.int32)
    table = jax.random.normal(k2, (N_VOCAB, D_MODEL), dtype=jnp.float32) * 0.02
    return {"input_idx": input_idx, "table": table}


def reference(input_idx, table):
    # Embedding lookup (gather)
    x = jnp.take(table, input_idx, axis=0)  # [B, S, D]
    # Positional encoding add (sinusoidal)
    pe = _positional_encoding(x.shape[1], x.shape[2])
    return x + pe[None, :, :]

if __name__ == "__main__":
    import jax
    _d = setup_inputs()
    print(jax.jit(kernel)(*tuple(_d.values())))

</pallas_src>

<mosaic_0001>
#map = affine_map<(d0, d1) -> (0, 0)>
#map1 = affine_map<(d0, d1) -> (0)>
module attributes {stable_mosaic.version = 14 : i64} {
  func.func @k(%arg0: i32, %arg1: i32, %arg2: memref<1000000x64xf32, #tpu.memory_space<hbm>>, %arg3: memref<204800xi32, #tpu.memory_space<hbm>>, %arg4: memref<200x64xf32, #tpu.memory_space<hbm>>, %arg5: memref<204800x64xf32, #tpu.memory_space<hbm>>, %arg6: memref<6400xi32, #tpu.memory_space<vmem>>, %arg7: memref<200x64xf32, #tpu.memory_space<vmem>>, %arg8: memref<400x64xf32, #tpu.memory_space<vmem>>, %arg9: memref<!tpu.dma_semaphore, #tpu.memory_space<semaphore_mem>>) attributes {dimension_semantics = [#tpu.dimension_semantics<core_parallel>, #tpu.dimension_semantics<subcore_parallel>], iteration_bounds = array<i64: 2, 16>, scalar_prefetch = 0 : i64, scratch_operands = 4 : i64, tpu.core_type = #tpu.core_type<sc_vector_subcore>, window_params = [{transform_indices = #map}, {transform_indices = #map1}, {transform_indices = #map}, {transform_indices = #map}]} {
    %mul3A = arith.constant 2 : i32
    %mul3A_0 = arith.muli %arg1, %mul3A : i32
    %add3A = arith.addi %mul3A_0, %arg0 : i32
    %mul3A_1 = arith.constant 6400 : i32
    %mul3A_2 = arith.muli %add3A, %mul3A_1 : i32
    "tpu.region"() ({
      %run_scoped3A = tpu.sem_alloc : memref<!tpu.dma_semaphore, #tpu.memory_space<semaphore_mem>>
      %dma_start3A = tpu.memref_slice %arg3[%mul3A_2] : memref<204800xi32, #tpu.memory_space<hbm>> -> memref<6400xi32, #tpu.memory_space<hbm>>
      %dma_start3A_8 = tpu.memref_slice %arg3[%mul3A_2] : memref<204800xi32, #tpu.memory_space<hbm>> -> memref<6400xi32, #tpu.memory_space<hbm>>
      tpu.enqueue_dma source(%dma_start3A_8 : memref<6400xi32, #tpu.memory_space<hbm>>) target(%arg6 : memref<6400xi32, #tpu.memory_space<vmem>>) target_semaphore(%run_scoped3A : memref<!tpu.dma_semaphore, #tpu.memory_space<semaphore_mem>>)
      %dma_wait3A = tpu.memref_slice %arg3[%mul3A_2] : memref<204800xi32, #tpu.memory_space<hbm>> -> memref<6400xi32, #tpu.memory_space<hbm>>
      %dma_wait3A_9 = tpu.memref_slice %arg3[%mul3A_2] : memref<204800xi32, #tpu.memory_space<hbm>> -> memref<6400xi32, #tpu.memory_space<hbm>>
      tpu.wait_dma2 semaphore(%run_scoped3A : memref<!tpu.dma_semaphore, #tpu.memory_space<semaphore_mem>>) src(%dma_wait3A_9 : memref<6400xi32, #tpu.memory_space<hbm>>) dst(%arg6 : memref<6400xi32, #tpu.memory_space<vmem>>)
      tpu.yield
    }) : () -> ()
    "tpu.region"() ({
      %run_scoped3A = tpu.sem_alloc : memref<!tpu.dma_semaphore, #tpu.memory_space<semaphore_mem>>
      tpu.enqueue_dma source(%arg4 : memref<200x64xf32, #tpu.memory_space<hbm>>) target(%arg7 : memref<200x64xf32, #tpu.memory_space<vmem>>) target_semaphore(%run_scoped3A : memref<!tpu.dma_semaphore, #tpu.memory_space<semaphore_mem>>)
      tpu.wait_dma2 semaphore(%run_scoped3A : memref<!tpu.dma_semaphore, #tpu.memory_space<semaphore_mem>>) src(%arg4 : memref<200x64xf32, #tpu.memory_space<hbm>>) dst(%arg7 : memref<200x64xf32, #tpu.memory_space<vmem>>)
      tpu.yield
    }) : () -> ()
    %scan3A = arith.constant 0 : i32
    %scan3A_3 = arith.constant 0 : i32
    %scan3A_4 = arith.constant 16 : i32
    %scan3A_5 = arith.addi %scan3A_3, %scan3A_4 : i32
    %scan3A_6 = arith.constant 1 : i32
    scf.for %scan3A_8 = %scan3A_3 to %scan3A_5 step %scan3A_6  : i32 {
      %mul3A_9 = arith.constant 400 : i32
      %mul3A_10 = arith.muli %scan3A_8, %mul3A_9 : i32
      %add3A_11 = arith.constant 0 : i32
      %add3A_12 = arith.addi %mul3A_10, %add3A_11 : i32
      %dma_start3A = arith.constant 0 : i32
      %dma_start3A_13 = arith.constant 0 : i32
      %dma_start3A_14 = tpu.memref_slice %arg8[%dma_start3A, %dma_start3A_13] : memref<400x64xf32, #tpu.memory_space<vmem>> -> memref<80x64xf32, #tpu.memory_space<vmem>>
      %dma_start3A_15 = tpu.memref_slice %arg6[%add3A_12] : memref<6400xi32, #tpu.memory_space<vmem>> -> memref<80xi32, #tpu.memory_space<vmem>>
      %dma_start3A_16 = arith.constant 0 : i32
      %dma_start3A_17 = arith.constant 0 : i32
      %dma_start3A_18 = tpu.memref_slice %arg2[%dma_start3A_16, %dma_start3A_17] : memref<1000000x64xf32, #tpu.memory_space<hbm>> -> memref<1000000x64xf32, #tpu.memory_space<hbm>>
      tpu.enqueue_indirect_dma source(%dma_start3A_18 : memref<1000000x64xf32, #tpu.memory_space<hbm>>) target(%dma_start3A_14 : memref<80x64xf32, #tpu.memory_space<vmem>>) offsets(%dma_start3A_15 : memref<80xi32, #tpu.memory_space<vmem>>) semaphore(%arg9 : memref<!tpu.dma_semaphore, #tpu.memory_space<semaphore_mem>>)
      %add3A_19 = arith.constant 80 : i32
      %add3A_20 = arith.addi %mul3A_10, %add3A_19 : i32
      %dma_start3A_21 = arith.constant 80 : i32
      %dma_start3A_22 = arith.constant 0 : i32
      %dma_start3A_23 = tpu.memref_slice %arg8[%dma_start3A_21, %dma_start3A_22] : memref<400x64xf32, #tpu.memory_space<vmem>> -> memref<80x64xf32, #tpu.memory_space<vmem>>
      %dma_start3A_24 = tpu.memref_slice %arg6[%add3A_20] : memref<6400xi32, #tpu.memory_space<vmem>> -> memref<80xi32, #tpu.memory_space<vmem>>
      %dma_start3A_25 = arith.constant 0 : i32
      %dma_start3A_26 = arith.constant 0 : i32
      %dma_start3A_27 = tpu.memref_slice %arg2[%dma_start3A_25, %dma_start3A_26] : memref<1000000x64xf32, #tpu.memory_space<hbm>> -> memref<1000000x64xf32, #tpu.memory_space<hbm>>
      tpu.enqueue_indirect_dma source(%dma_start3A_27 : memref<1000000x64xf32, #tpu.memory_space<hbm>>) target(%dma_start3A_23 : memref<80x64xf32, #tpu.memory_space<vmem>>) offsets(%dma_start3A_24 : memref<80xi32, #tpu.memory_space<vmem>>) semaphore(%arg9 : memref<!tpu.dma_semaphore, #tpu.memory_space<semaphore_mem>>)
      %add3A_28 = arith.constant 160 : i32
      %add3A_29 = arith.addi %mul3A_10, %add3A_28 : i32
      %dma_start3A_30 = arith.constant 160 : i32
      %dma_start3A_31 = arith.constant 0 : i32
      %dma_start3A_32 = tpu.memref_slice %arg8[%dma_start3A_30, %dma_start3A_31] : memref<400x64xf32, #tpu.memory_space<vmem>> -> memref<80x64xf32, #tpu.memory_space<vmem>>
      %dma_start3A_33 = tpu.memref_slice %arg6[%add3A_29] : memref<6400xi32, #tpu.memory_space<vmem>> -> memref<80xi32, #tpu.memory_space<vmem>>
      %dma_start3A_34 = arith.constant 0 : i32
      %dma_start3A_35 = arith.constant 0 : i32
      %dma_start3A_36 = tpu.memref_slice %arg2[%dma_start3A_34, %dma_start3A_35] : memref<1000000x64xf32, #tpu.memory_space<hbm>> -> memref<1000000x64xf32, #tpu.memory_space<hbm>>
      tpu.enqueue_indirect_dma source(%dma_start3A_36 : memref<1000000x64xf32, #tpu.memory_space<hbm>>) target(%dma_start3A_32 : memref<80x64xf32, #tpu.memory_space<vmem>>) offsets(%dma_start3A_33 : memref<80xi32, #tpu.memory_space<vmem>>) semaphore(%arg9 : memref<!tpu.dma_semaphore, #tpu.memory_space<semaphore_mem>>)
      %add3A_37 = arith.constant 240 : i32
      %add3A_38 = arith.addi %mul3A_10, %add3A_37 : i32
      %dma_start3A_39 = arith.constant 240 : i32
      %dma_start3A_40 = arith.constant 0 : i32
      %dma_start3A_41 = tpu.memref_slice %arg8[%dma_start3A_39, %dma_start3A_40] : memref<400x64xf32, #tpu.memory_space<vmem>> -> memref<80x64xf32, #tpu.memory_space<vmem>>
      %dma_start3A_42 = tpu.memref_slice %arg6[%add3A_38] : memref<6400xi32, #tpu.memory_space<vmem>> -> memref<80xi32, #tpu.memory_space<vmem>>
      %dma_start3A_43 = arith.constant 0 : i32
      %dma_start3A_44 = arith.constant 0 : i32
      %dma_start3A_45 = tpu.memref_slice %arg2[%dma_start3A_43, %dma_start3A_44] : memref<1000000x64xf32, #tpu.memory_space<hbm>> -> memref<1000000x64xf32, #tpu.memory_space<hbm>>
      tpu.enqueue_indirect_dma source(%dma_start3A_45 : memref<1000000x64xf32, #tpu.memory_space<hbm>>) target(%dma_start3A_41 : memref<80x64xf32, #tpu.memory_space<vmem>>) offsets(%dma_start3A_42 : memref<80xi32, #tpu.memory_space<vmem>>) semaphore(%arg9 : memref<!tpu.dma_semaphore, #tpu.memory_space<semaphore_mem>>)
      %add3A_46 = arith.constant 320 : i32
      %add3A_47 = arith.addi %mul3A_10, %add3A_46 : i32
      %dma_start3A_48 = arith.constant 320 : i32
      %dma_start3A_49 = arith.constant 0 : i32
      %dma_start3A_50 = tpu.memref_slice %arg8[%dma_start3A_48, %dma_start3A_49] : memref<400x64xf32, #tpu.memory_space<vmem>> -> memref<80x64xf32, #tpu.memory_space<vmem>>
      %dma_start3A_51 = tpu.memref_slice %arg6[%add3A_47] : memref<6400xi32, #tpu.memory_space<vmem>> -> memref<80xi32, #tpu.memory_space<vmem>>
      %dma_start3A_52 = arith.constant 0 : i32
      %dma_start3A_53 = arith.constant 0 : i32
      %dma_start3A_54 = tpu.memref_slice %arg2[%dma_start3A_52, %dma_start3A_53] : memref<1000000x64xf32, #tpu.memory_space<hbm>> -> memref<1000000x64xf32, #tpu.memory_space<hbm>>
      tpu.enqueue_indirect_dma source(%dma_start3A_54 : memref<1000000x64xf32, #tpu.memory_space<hbm>>) target(%dma_start3A_50 : memref<80x64xf32, #tpu.memory_space<vmem>>) offsets(%dma_start3A_51 : memref<80xi32, #tpu.memory_space<vmem>>) semaphore(%arg9 : memref<!tpu.dma_semaphore, #tpu.memory_space<semaphore_mem>>)
      %dma_wait3A = arith.constant 0 : i32
      %dma_wait3A_55 = arith.constant 0 : i32
      %dma_wait3A_56 = tpu.memref_slice %arg8[%dma_wait3A, %dma_wait3A_55] : memref<400x64xf32, #tpu.memory_space<vmem>> -> memref<80x64xf32, #tpu.memory_space<vmem>>
      %dma_wait3A_57 = tpu.memref_slice %arg6[%add3A_12] : memref<6400xi32, #tpu.memory_space<vmem>> -> memref<80xi32, #tpu.memory_space<vmem>>
      %dma_wait3A_58 = arith.constant 0 : i32
      %dma_wait3A_59 = arith.constant 0 : i32
      %dma_wait3A_60 = tpu.memref_slice %arg2[%dma_wait3A_58, %dma_wait3A_59] : memref<1000000x64xf32, #tpu.memory_space<hbm>> -> memref<1000000x64xf32, #tpu.memory_space<hbm>>
      tpu.wait_indirect_dma semaphore(%arg9 : memref<!tpu.dma_semaphore, #tpu.memory_space<semaphore_mem>>) src(%dma_wait3A_60 : memref<1000000x64xf32, #tpu.memory_space<hbm>>) dst(%dma_wait3A_56 : memref<80x64xf32, #tpu.memory_space<vmem>>)
      %dma_wait3A_61 = arith.constant 80 : i32
      %dma_wait3A_62 = arith.constant 0 : i32
      %dma_wait3A_63 = tpu.memref_slice %arg8[%dma_wait3A_61, %dma_wait3A_62] : memref<400x64xf32, #tpu.memory_space<vmem>> -> memref<80x64xf32, #tpu.memory_space<vmem>>
      %dma_wait3A_64 = tpu.memref_slice %arg6[%add3A_20] : memref<6400xi32, #tpu.memory_space<vmem>> -> memref<80xi32, #tpu.memory_space<vmem>>
      %dma_wait3A_65 = arith.constant 0 : i32
      %dma_wait3A_66 = arith.constant 0 : i32
      %dma_wait3A_67 = tpu.memref_slice %arg2[%dma_wait3A_65, %dma_wait3A_66] : memref<1000000x64xf32, #tpu.memory_space<hbm>> -> memref<1000000x64xf32, #tpu.memory_space<hbm>>
      tpu.wait_indirect_dma semaphore(%arg9 : memref<!tpu.dma_semaphore, #tpu.memory_space<semaphore_mem>>) src(%dma_wait3A_67 : memref<1000000x64xf32, #tpu.memory_space<hbm>>) dst(%dma_wait3A_63 : memref<80x64xf32, #tpu.memory_space<vmem>>)
      %dma_wait3A_68 = arith.constant 160 : i32
      %dma_wait3A_69 = arith.constant 0 : i32
      %dma_wait3A_70 = tpu.memref_slice %arg8[%dma_wait3A_68, %dma_wait3A_69] : memref<400x64xf32, #tpu.memory_space<vmem>> -> memref<80x64xf32, #tpu.memory_space<vmem>>
      %dma_wait3A_71 = tpu.memref_slice %arg6[%add3A_29] : memref<6400xi32, #tpu.memory_space<vmem>> -> memref<80xi32, #tpu.memory_space<vmem>>
      %dma_wait3A_72 = arith.constant 0 : i32
      %dma_wait3A_73 = arith.constant 0 : i32
      %dma_wait3A_74 = tpu.memref_slice %arg2[%dma_wait3A_72, %dma_wait3A_73] : memref<1000000x64xf32, #tpu.memory_space<hbm>> -> memref<1000000x64xf32, #tpu.memory_space<hbm>>
      tpu.wait_indirect_dma semaphore(%arg9 : memref<!tpu.dma_semaphore, #tpu.memory_space<semaphore_mem>>) src(%dma_wait3A_74 : memref<1000000x64xf32, #tpu.memory_space<hbm>>) dst(%dma_wait3A_70 : memref<80x64xf32, #tpu.memory_space<vmem>>)
      %dma_wait3A_75 = arith.constant 240 : i32
      %dma_wait3A_76 = arith.constant 0 : i32
      %dma_wait3A_77 = tpu.memref_slice %arg8[%dma_wait3A_75, %dma_wait3A_76] : memref<400x64xf32, #tpu.memory_space<vmem>> -> memref<80x64xf32, #tpu.memory_space<vmem>>
      %dma_wait3A_78 = tpu.memref_slice %arg6[%add3A_38] : memref<6400xi32, #tpu.memory_space<vmem>> -> memref<80xi32, #tpu.memory_space<vmem>>
      %dma_wait3A_79 = arith.constant 0 : i32
      %dma_wait3A_80 = arith.constant 0 : i32
      %dma_wait3A_81 = tpu.memref_slice %arg2[%dma_wait3A_79, %dma_wait3A_80] : memref<1000000x64xf32, #tpu.memory_space<hbm>> -> memref<1000000x64xf32, #tpu.memory_space<hbm>>
      tpu.wait_indirect_dma semaphore(%arg9 : memref<!tpu.dma_semaphore, #tpu.memory_space<semaphore_mem>>) src(%dma_wait3A_81 : memref<1000000x64xf32, #tpu.memory_space<hbm>>) dst(%dma_wait3A_77 : memref<80x64xf32, #tpu.memory_space<vmem>>)
      %dma_wait3A_82 = arith.constant 320 : i32
      %dma_wait3A_83 = arith.constant 0 : i32
      %dma_wait3A_84 = tpu.memref_slice %arg8[%dma_wait3A_82, %dma_wait3A_83] : memref<400x64xf32, #tpu.memory_space<vmem>> -> memref<80x64xf32, #tpu.memory_space<vmem>>
      %dma_wait3A_85 = tpu.memref_slice %arg6[%add3A_47] : memref<6400xi32, #tpu.memory_space<vmem>> -> memref<80xi32, #tpu.memory_space<vmem>>
      %dma_wait3A_86 = arith.constant 0 : i32
      %dma_wait3A_87 = arith.constant 0 : i32
      %dma_wait3A_88 = tpu.memref_slice %arg2[%dma_wait3A_86, %dma_wait3A_87] : memref<1000000x64xf32, #tpu.memory_space<hbm>> -> memref<1000000x64xf32, #tpu.memory_space<hbm>>
      tpu.wait_indirect_dma semaphore(%arg9 : memref<!tpu.dma_semaphore, #tpu.memory_space<semaphore_mem>>) src(%dma_wait3A_88 : memref<1000000x64xf32, #tpu.memory_space<hbm>>) dst(%dma_wait3A_84 : memref<80x64xf32, #tpu.memory_space<vmem>>)
      %scan3A_89 = arith.constant 0 : i32
      %scan3A_90 = arith.constant 0 : i32
      %scan3A_91 = arith.constant 200 : i32
      %scan3A_92 = arith.addi %scan3A_90, %scan3A_91 : i32
      %scan3A_93 = arith.constant 1 : i32
      scf.for %scan3A_96 = %scan3A_90 to %scan3A_92 step %scan3A_93  : i32 {
        %get3A = arith.index_cast %scan3A_96 : i32 to index
        %get3A_97 = arith.constant 0 : index
        %get3A_98 = tpu.vector_load %arg7[%get3A, %get3A_97] {strides = array<i32>} : memref<200x64xf32, #tpu.memory_space<vmem>>, vector<1x16xf32>,
        %get3A_99 = vector.shape_cast %get3A_98 : vector<1x16xf32> to vector<16xf32>
        %add3A_100 = arith.constant 0 : i32
        %add3A_101 = arith.addi %add3A_100, %scan3A_96 : i32
        %get3A_102 = arith.index_cast %add3A_101 : i32 to index
        %get3A_103 = arith.constant 0 : index
        %get3A_104 = tpu.vector_load %arg8[%get3A_102, %get3A_103] {strides = array<i32>} : memref<400x64xf32, #tpu.memory_space<vmem>>, vector<1x16xf32>,
        %get3A_105 = vector.shape_cast %get3A_104 : vector<1x16xf32> to vector<16xf32>
        %add3A_106 = arith.addf %get3A_105, %get3A_99 : vector<16xf32>
        %swap3A = arith.index_cast %add3A_101 : i32 to index
        %swap3A_107 = arith.constant 0 : index
        %swap3A_108 = tpu.vector_load %arg8[%swap3A, %swap3A_107] {strides = array<i32>} : memref<400x64xf32, #tpu.memory_space<vmem>>, vector<1x16xf32>,
        %swap3A_109 = vector.shape_cast %swap3A_108 : vector<1x16xf32> to vector<16xf32>
        %swap3A_110 = vector.shape_cast %add3A_106 : vector<16xf32> to vector<1x16xf32>
        tpu.vector_store %arg8[%swap3A, %swap3A_107], %swap3A_110 {strides = array<i32>} : memref<400x64xf32, #tpu.memory_space<vmem>>, vector<1x16xf32>,
        %add3A_111 = arith.constant 200 : i32
        %add3A_112 = arith.addi %add3A_111, %scan3A_96 : i32
        %get3A_113 = arith.index_cast %add3A_112 : i32 to index
        %get3A_114 = arith.constant 0 : index
        %get3A_115 = tpu.vector_load %arg8[%get3A_113, %get3A_114] {strides = array<i32>} : memref<400x64xf32, #tpu.memory_space<vmem>>, vector<1x16xf32>,
        %get3A_116 = vector.shape_cast %get3A_115 : vector<1x16xf32> to vector<16xf32>
        %add3A_117 = arith.addf %get3A_116, %get3A_99 : vector<16xf32>
        %swap3A_118 = arith.index_cast %add3A_112 : i32 to index
        %swap3A_119 = arith.constant 0 : index
        %swap3A_120 = tpu.vector_load %arg8[%swap3A_118, %swap3A_119] {strides = array<i32>} : memref<400x64xf32, #tpu.memory_space<vmem>>, vector<1x16xf32>,
        %swap3A_121 = vector.shape_cast %swap3A_120 : vector<1x16xf32> to vector<16xf32>
        %swap3A_122 = vector.shape_cast %add3A_117 : vector<16xf32> to vector<1x16xf32>
        tpu.vector_store %arg8[%swap3A_118, %swap3A_119], %swap3A_122 {strides = array<i32>} : memref<400x64xf32, #tpu.memory_space<vmem>>, vector<1x16xf32>,
        %get3A_123 = arith.index_cast %scan3A_96 : i32 to index
        %get3A_124 = arith.constant 16 : index
        %get3A_125 = tpu.vector_load %arg7[%get3A_123, %get3A_124] {strides = array<i32>} : memref<200x64xf32, #tpu.memory_space<vmem>>, vector<1x16xf32>,
        %get3A_126 = vector.shape_cast %get3A_125 : vector<1x16xf32> to vector<16xf32>
        %add3A_127 = arith.constant 0 : i32
        %add3A_128 = arith.addi %add3A_127, %scan3A_96 : i32
        %get3A_129 = arith.index_cast %add3A_128 : i32 to index
        %get3A_130 = arith.constant 16 : index
        %get3A_131 = tpu.vector_load %arg8[%get3A_129, %get3A_130] {strides = array<i32>} : memref<400x64xf32, #tpu.memory_space<vmem>>, vector<1x16xf32>,
        %get3A_132 = vector.shape_cast %get3A_131 : vector<1x16xf32> to vector<16xf32>
        %add3A_133 = arith.addf %get3A_132, %get3A_126 : vector<16xf32>
        %swap3A_134 = arith.index_cast %add3A_128 : i32 to index
        %swap3A_135 = arith.constant 16 : index
        %swap3A_136 = tpu.vector_load %arg8[%swap3A_134, %swap3A_135] {strides = array<i32>} : memref<400x64xf32, #tpu.memory_space<vmem>>, vector<1x16xf32>,
        %swap3A_137 = vector.shape_cast %swap3A_136 : vector<1x16xf32> to vector<16xf32>
        %swap3A_138 = vector.shape_cast %add3A_133 : vector<16xf32> to vector<1x16xf32>
        tpu.vector_store %arg8[%swap3A_134, %swap3A_135], %swap3A_138 {strides = array<i32>} : memref<400x64xf32, #tpu.memory_space<vmem>>, vector<1x16xf32>,
        %add3A_139 = arith.constant 200 : i32
        %add3A_140 = arith.addi %add3A_139, %scan3A_96 : i32
        %get3A_141 = arith.index_cast %add3A_140 : i32 to index
        %get3A_142 = arith.constant 16 : index
        %get3A_143 = tpu.vector_load %arg8[%get3A_141, %get3A_142] {strides = array<i32>} : memref<400x64xf32, #tpu.memory_space<vmem>>, vector<1x16xf32>,
        %get3A_144 = vector.shape_cast %get3A_143 : vector<1x16xf32> to vector<16xf32>
        %add3A_145 = arith.addf %get3A_144, %get3A_126 : vector<16xf32>
        %swap3A_146 = arith.index_cast %add3A_140 : i32 to index
        %swap3A_147 = arith.constant 16 : index
        %swap3A_148 = tpu.vector_load %arg8[%swap3A_146, %swap3A_147] {strides = array<i32>} : memref<400x64xf32, #tpu.memory_space<vmem>>, vector<1x16xf32>,
        %swap3A_149 = vector.shape_cast %swap3A_148 : vector<1x16xf32> to vector<16xf32>
        %swap3A_150 = vector.shape_cast %add3A_145 : vector<16xf32> to vector<1x16xf32>
        tpu.vector_store %arg8[%swap3A_146, %swap3A_147], %swap3A_150 {strides = array<i32>} : memref<400x64xf32, #tpu.memory_space<vmem>>, vector<1x16xf32>,
        %get3A_151 = arith.index_cast %scan3A_96 : i32 to index
        %get3A_152 = arith.constant 32 : index
        %get3A_153 = tpu.vector_load %arg7[%get3A_151, %get3A_152] {strides = array<i32>} : memref<200x64xf32, #tpu.memory_space<vmem>>, vector<1x16xf32>,
        %get3A_154 = vector.shape_cast %get3A_153 : vector<1x16xf32> to vector<16xf32>
        %add3A_155 = arith.constant 0 : i32
        %add3A_156 = arith.addi %add3A_155, %scan3A_96 : i32
        %get3A_157 = arith.index_cast %add3A_156 : i32 to index
        %get3A_158 = arith.constant 32 : index
        %get3A_159 = tpu.vector_load %arg8[%get3A_157, %get3A_158] {strides = array<i32>} : memref<400x64xf32, #tpu.memory_space<vmem>>, vector<1x16xf32>,
        %get3A_160 = vector.shape_cast %get3A_159 : vector<1x16xf32> to vector<16xf32>
        %add3A_161 = arith.addf %get3A_160, %get3A_154 : vector<16xf32>
        %swap3A_162 = arith.index_cast %add3A_156 : i32 to index
        %swap3A_163 = arith.constant 32 : index
        %swap3A_164 = tpu.vector_load %arg8[%swap3A_162, %swap3A_163] {strides = array<i32>} : memref<400x64xf32, #tpu.memory_space<vmem>>, vector<1x16xf32>,
        %swap3A_165 = vector.shape_cast %swap3A_164 : vector<1x16xf32> to vector<16xf32>
        %swap3A_166 = vector.shape_cast %add3A_161 : vector<16xf32> to vector<1x16xf32>
        tpu.vector_store %arg8[%swap3A_162, %swap3A_163], %swap3A_166 {strides = array<i32>} : memref<400x64xf32, #tpu.memory_space<vmem>>, vector<1x16xf32>,
        %add3A_167 = arith.constant 200 : i32
        %add3A_168 = arith.addi %add3A_167, %scan3A_96 : i32
        %get3A_169 = arith.index_cast %add3A_168 : i32 to index
        %get3A_170 = arith.constant 32 : index
        %get3A_171 = tpu.vector_load %arg8[%get3A_169, %get3A_170] {strides = array<i32>} : memref<400x64xf32, #tpu.memory_space<vmem>>, vector<1x16xf32>,
        %get3A_172 = vector.shape_cast %get3A_171 : vector<1x16xf32> to vector<16xf32>
        %add3A_173 = arith.addf %get3A_172, %get3A_154 : vector<16xf32>
        %swap3A_174 = arith.index_cast %add3A_168 : i32 to index
        %swap3A_175 = arith.constant 32 : index
        %swap3A_176 = tpu.vector_load %arg8[%swap3A_174, %swap3A_175] {strides = array<i32>} : memref<400x64xf32, #tpu.memory_space<vmem>>, vector<1x16xf32>,
        %swap3A_177 = vector.shape_cast %swap3A_176 : vector<1x16xf32> to vector<16xf32>
        %swap3A_178 = vector.shape_cast %add3A_173 : vector<16xf32> to vector<1x16xf32>
        tpu.vector_store %arg8[%swap3A_174, %swap3A_175], %swap3A_178 {strides = array<i32>} : memref<400x64xf32, #tpu.memory_space<vmem>>, vector<1x16xf32>,
        %get3A_179 = arith.index_cast %scan3A_96 : i32 to index
        %get3A_180 = arith.constant 48 : index
        %get3A_181 = tpu.vector_load %arg7[%get3A_179, %get3A_180] {strides = array<i32>} : memref<200x64xf32, #tpu.memory_space<vmem>>, vector<1x16xf32>,
        %get3A_182 = vector.shape_cast %get3A_181 : vector<1x16xf32> to vector<16xf32>
        %add3A_183 = arith.constant 0 : i32
        %add3A_184 = arith.addi %add3A_183, %scan3A_96 : i32
        %get3A_185 = arith.index_cast %add3A_184 : i32 to index
        %get3A_186 = arith.constant 48 : index
        %get3A_187 = tpu.vector_load %arg8[%get3A_185, %get3A_186] {strides = array<i32>} : memref<400x64xf32, #tpu.memory_space<vmem>>, vector<1x16xf32>,
        %get3A_188 = vector.shape_cast %get3A_187 : vector<1x16xf32> to vector<16xf32>
        %add3A_189 = arith.addf %get3A_188, %get3A_182 : vector<16xf32>
        %swap3A_190 = arith.index_cast %add3A_184 : i32 to index
        %swap3A_191 = arith.constant 48 : index
        %swap3A_192 = tpu.vector_load %arg8[%swap3A_190, %swap3A_191] {strides = array<i32>} : memref<400x64xf32, #tpu.memory_space<vmem>>, vector<1x16xf32>,
        %swap3A_193 = vector.shape_cast %swap3A_192 : vector<1x16xf32> to vector<16xf32>
        %swap3A_194 = vector.shape_cast %add3A_189 : vector<16xf32> to vector<1x16xf32>
        tpu.vector_store %arg8[%swap3A_190, %swap3A_191], %swap3A_194 {strides = array<i32>} : memref<400x64xf32, #tpu.memory_space<vmem>>, vector<1x16xf32>,
        %add3A_195 = arith.constant 200 : i32
        %add3A_196 = arith.addi %add3A_195, %scan3A_96 : i32
        %get3A_197 = arith.index_cast %add3A_196 : i32 to index
        %get3A_198 = arith.constant 48 : index
        %get3A_199 = tpu.vector_load %arg8[%get3A_197, %get3A_198] {strides = array<i32>} : memref<400x64xf32, #tpu.memory_space<vmem>>, vector<1x16xf32>,
        %get3A_200 = vector.shape_cast %get3A_199 : vector<1x16xf32> to vector<16xf32>
        %add3A_201 = arith.addf %get3A_200, %get3A_182 : vector<16xf32>
        %swap3A_202 = arith.index_cast %add3A_196 : i32 to index
        %swap3A_203 = arith.constant 48 : index
        %swap3A_204 = tpu.vector_load %arg8[%swap3A_202, %swap3A_203] {strides = array<i32>} : memref<400x64xf32, #tpu.memory_space<vmem>>, vector<1x16xf32>,
        %swap3A_205 = vector.shape_cast %swap3A_204 : vector<1x16xf32> to vector<16xf32>
        %swap3A_206 = vector.shape_cast %add3A_201 : vector<16xf32> to vector<1x16xf32>
        tpu.vector_store %arg8[%swap3A_202, %swap3A_203], %swap3A_206 {strides = array<i32>} : memref<400x64xf32, #tpu.memory_space<vmem>>, vector<1x16xf32>,
      }
      %scan3A_94 = arith.constant 200 : i32
      %add3A_95 = arith.addi %mul3A_2, %mul3A_10 : i32
      "tpu.region"() ({
        %run_scoped3A = tpu.sem_alloc : memref<!tpu.dma_semaphore, #tpu.memory_space<semaphore_mem>>
        %dma_start3A_96 = arith.constant 0 : i32
        %dma_start3A_97 = tpu.memref_slice %arg5[%add3A_95, %dma_start3A_96] : memref<204800x64xf32, #tpu.memory_space<hbm>> -> memref<400x64xf32, #tpu.memory_space<hbm>>
        %dma_start3A_98 = arith.constant 0 : i32
        %dma_start3A_99 = tpu.memref_slice %arg5[%add3A_95, %dma_start3A_98] : memref<204800x64xf32, #tpu.memory_space<hbm>> -> memref<400x64xf32, #tpu.memory_space<hbm>>
        tpu.enqueue_dma source(%arg8 : memref<400x64xf32, #tpu.memory_space<vmem>>) target(%dma_start3A_99 : memref<400x64xf32, #tpu.memory_space<hbm>>) target_semaphore(%run_scoped3A : memref<!tpu.dma_semaphore, #tpu.memory_space<semaphore_mem>>)
        %dma_wait3A_100 = arith.constant 0 : i32
        %dma_wait3A_101 = tpu.memref_slice %arg5[%add3A_95, %dma_wait3A_100] : memref<204800x64xf32, #tpu.memory_space<hbm>> -> memref<400x64xf32, #tpu.memory_space<hbm>>
        %dma_wait3A_102 = arith.constant 0 : i32
        %dma_wait3A_103 = tpu.memref_slice %arg5[%add3A_95, %dma_wait3A_102] : memref<204800x64xf32, #tpu.memory_space<hbm>> -> memref<400x64xf32, #tpu.memory_space<hbm>>
        tpu.wait_dma2 semaphore(%run_scoped3A : memref<!tpu.dma_semaphore, #tpu.memory_space<semaphore_mem>>) src(%arg8 : memref<400x64xf32, #tpu.memory_space<vmem>>) dst(%dma_wait3A_103 : memref<400x64xf32, #tpu.memory_space<hbm>>)
        tpu.yield
      }) : () -> ()
    }
    %scan3A_7 = arith.constant 16 : i32
    return
  }
}

</mosaic_0001>

<sc_bundles>
// kernel: kernel.3.cloned.1.call-start
scs
__scs_entry_jumppad:
0x0: {  	(pc) =	sbr.rel $0x88, $3  }
0x1: {  	(tag) =	ssettag $0x0;
	lr =	simm.s32 $0x1  }
0x2: {  	[smem:$0x3F9F] =	sst lr;
	_ =	strace $0xD0000000  }
0x3: {  	_ = 	snop  }
0x4: {  	_ = 	snop  }
0x5: {  	_ = 	snop  }
0x6: {  	_ = 	snop  }
0x7: {  	_ = 	snop  }
__scs_overlays_trampoline_lowered:
0x8: {  	[smem:$0x3FAE] =	sst s0  }
0x9: {  	[smem:$0x3FAF] =	sst s1  }
0xa: {  	[smem:$0x3FB0] =	sst s2  }
0xb: {  	[smem:$0x3FB1] =	sst s3  }
0xc: {  	[smem:$0x3FB2] =	sst s4  }
0xd: {  	[smem:$0x3FB3] =	sst s5  }
0xe: {  	[smem:$0x3FB4] =	sst s6  }
0xf: {  	[smem:$0x3FB5] =	sst s7  }
0x10: {  	[smem:$0x3FB6] =	sst s8  }
0x11: {  	[smem:$0x3FB7] =	sst s9;
	s0 =	simm.s32 @!p0 $0x0  }
0x12: {  	s1 =	sld [smem:$0x3F9D];
	s0 =	simm.s32 @p0 $0x1  }
0x13: {  	[smem:$0x3FB8] =	sst s0;
	s0 =	simm.s32 @!p1 $0x0  }
0x14: {  	s2 =	sld [smem:$0x3F9C];
	s0 =	simm.s32 @p1 $0x1  }
0x15: {  	[smem:$0x3FB9] =	sst s0;
	s0 =	simm.s32 @!p2 $0x0  }
0x16: {  	s3 =	sld [smem:$0x3FDB];
	s0 =	simm.s32 @p2 $0x1  }
0x17: {  	s4 =	simm.s32 $0x1BF5;
	[smem:$0x3FBB] =	sst s0  }
0x18: {  	s0 =	sld [smem:$0x3F9E];
	_ =	swait.ge [sflag:s4], $0x0  }
0x19: {  	s7 =	sld [smem:$0x3F9F]  }
0x1a: {  	s8 =	sadd.s32 $0xFFFFE003, lr  }
0x1b: {  	s9 =	sadd.s32 $0xFFFFFEF7, lr;
	s5 =	simm.s32 $0xFFFFFFFF;
	p2 =	slt.u32 s8, $0xFFFFF086  }
0x1c: {  	p1 =	slt.u32 s9, $0xF7A;
	s5 =	simm.s32 @!p2 $0x0  }
0x1d: {  	s5 =	simm.s32 @p1 $0x1;
	p0 =	seq.s32 s7, s2  }
0x1e: {  	s7 =	smul.u32 @!p0 $0xF7A, s2;
	p2 =	seq.s32 @!p0 s5, $0x0  }
0x1f: {  	s9 =	smul.u32 $0xF7A, s1;
	s8 =	simm.s32 @!p0 $0x1BF5;
	p2 =	por !p2, p0  }
0x20: {  	[sflag:s8] =	ssyncset.s32 @!p0 $0xFFFFF086;
	s6 =	sadd.s32 @!p0 s3, s7;
	s7 =	simm.s32 @!p0 $0x108  }
0x21: {  	s3 =	sadd.s32 s3, s9;
	s6 =	sadd.s32 @!p0 $0x88, s6;
	s7 =	simm.s32 @p2 $0x1082  }
0x22: {  	[simem:s7], [sflag:s8] =	dma.local @!p0 [hbm:s6], $0xF7A  }
0x23: {  	s9 =	sor.u32 $0xD0000000, s2;
	s6 =	simm.s32 $0x108;
	_ =	swait.ge @!p0 [sflag:s8], $0x0  }
0x24: {  	s3 =	sadd.s32 $0x88, s3;
	s6 =	simm.s32 @!p1 $0x1082;
	[sflag:s4] =	ssyncset.s32 $0xFFFFF086  }
0x25: {  	[simem:s6], [sflag:s4] =	dma.local [hbm:s3], $0xF7A  }
0x26: {  	[smem:$0x3F9F] =	sst s1;
	(tag) =	ssettag s2;
	_ =	strace s9  }
0x27: {  	s1 =	sld [smem:$0x3FAF]  }
0x28: {  	s2 =	sld [smem:$0x3FB0]  }
0x29: {  	s4 =	sld [smem:$0x3FB2]  }
0x2a: {  	p0 =	seq.s32 s5, $0x0;
	s5 =	sld [smem:$0x3FB3]  }
0x2b: {  	s6 =	sld [smem:$0x3FB4]  }
0x2c: {  	s7 =	sld [smem:$0x3FB5]  }
0x2d: {  	s3 =	simm.s32 $0x108;
	s8 =	sld [smem:$0x3FB6]  }
0x2e: {  	s3 =	simm.s32 @!p0 $0x1082;
	s9 =	sld [smem:$0x3FB7]  }
0x2f: {  	lr =	sadd.s32 s0, s3;
	s0 =	sld [smem:$0x3FAE]  }
0x30: {  	s3 =	sld [smem:$0x3FB1]  }
0x31: {  	[smem:$0x3FBA] =	sst s10  }
0x32: {  	s10 =	sld [smem:$0x3FB8];
	_ =	sdelay $0x3  }
0x33: {  	p0 =	seq.s32 s10, $0x1;
	s10 =	sld [smem:$0x3FBA];
	_ =	sdelay $0x3  }
0x34: {  	[smem:$0x3FBA] =	sst s10  }
0x35: {  	s10 =	sld [smem:$0x3FB9];
	_ =	sdelay $0x3  }
0x36: {  	p1 =	seq.s32 s10, $0x1;
	s10 =	sld [smem:$0x3FBA];
	_ =	sdelay $0x3  }
0x37: {  	[smem:$0x3FBA] =	sst s10  }
0x38: {  	s10 =	sld [smem:$0x3FBB]  }
0x39: {  	_ = 	snop;
	(pc) =	sbr.ind lr, $3  }
0x3a: {  	_ = 	snop  }
0x3b: {  	_ = 	snop  }
0x3c: {  	p2 =	seq.s32 s10, $0x1;
	s10 =	sld [smem:$0x3FBA]  }
0x3d: {  	_ =	shalt  }
0x3e: {  	_ =	shalt  }
0x3f: {  	_ =	shalt  }
0x40: {  	_ =	shalt  }
0x41: {  	_ =	shalt  }
0x42: {  	_ =	shalt  }
0x43: {  	_ =	shalt  }
0x44: {  	_ =	shalt  }
0x45: {  	_ =	shalt  }
0x46: {  	_ =	shalt  }
0x47: {  	_ =	shalt  }
0x48: {  	_ =	shalt  }
0x49: {  	_ =	shalt  }
0x4a: {  	_ =	shalt  }
0x4b: {  	_ =	shalt  }
0x4c: {  	_ =	shalt  }
0x4d: {  	_ =	shalt  }
0x4e: {  	_ =	shalt  }
0x4f: {  	_ =	shalt  }
0x50: {  	_ =	shalt  }
0x51: {  	_ =	shalt  }
0x52: {  	_ =	shalt  }
0x53: {  	_ =	shalt  }
0x54: {  	_ =	shalt  }
0x55: {  	_ =	shalt  }
0x56: {  	_ =	shalt  }
0x57: {  	_ =	shalt  }
0x58: {  	_ =	shalt  }
0x59: {  	_ =	shalt  }
0x5a: {  	_ =	shalt  }
0x5b: {  	_ =	shalt  }
0x5c: {  	_ =	shalt  }
0x5d: {  	_ =	shalt  }
0x5e: {  	_ =	shalt  }
0x5f: {  	_ =	shalt  }
0x60: {  	_ =	shalt  }
0x61: {  	_ =	shalt  }
0x62: {  	_ =	shalt  }
0x63: {  	_ =	shalt  }
0x64: {  	_ =	shalt  }
0x65: {  	_ =	shalt  }
0x66: {  	_ =	shalt  }
0x67: {  	_ =	shalt  }
0x68: {  	_ =	shalt  }
0x69: {  	_ =	shalt  }
0x6a: {  	_ =	shalt  }
0x6b: {  	_ =	shalt  }
0x6c: {  	_ =	shalt  }
0x6d: {  	_ =	shalt  }
0x6e: {  	_ =	shalt  }
0x6f: {  	_ =	shalt  }
0x70: {  	_ =	shalt  }
0x71: {  	_ =	shalt  }
0x72: {  	_ =	shalt  }
0x73: {  	_ =	shalt  }
0x74: {  	_ =	shalt  }
0x75: {  	_ =	shalt  }
0x76: {  	_ =	shalt  }
0x77: {  	_ =	shalt  }
0x78: {  	_ =	shalt  }
0x79: {  	_ =	shalt  }
0x7a: {  	_ =	shalt  }
0x7b: {  	_ =	shalt  }
0x7c: {  	_ =	shalt  }
0x7d: {  	_ =	shalt  }
0x7e: {  	_ =	shalt  }
0x7f: {  	_ =	shalt  }
0x80: {  	_ =	shalt  }
0x81: {  	_ =	shalt  }
0x82: {  	_ =	shalt  }
0x83: {  	_ =	shalt  }
0x84: {  	_ =	shalt  }
0x85: {  	_ =	shalt  }
0x86: {  	_ =	shalt  }
0x87: {  	_ =	shalt  }
.Lfunc_end0:
.L_simem_size_0:
called_computation.1_lowered:
.L_overlay_start_0:
0x88: {  	s2 =	sld [smem:$0x3FD9]  }
0x89: {  	s3 =	sld [smem:$0x3FFE];
	_ =	sdelay $0x1  }
0x8a: {  	s1 =	srdreg.scid  }
0x8b: {  	s0 =	sand.u32 $0x1, s1  }
0x8c: {  	s17 =	sshll.u32 s0, $0xA;
	s2 =	sadd.s32 s3, s2  }
0x8d: {  	s2 =	sadd.s32 s2, s17  }
0x8e: {  	[smem:$0x3FC6] =	sst s2  }
0x8f: {  	_ = 	snop  }
0x90: {  	s2 =	sld [smem:$0x3FD0];
	(tm) =	ssettm $0x1  }
0x91: {  	s18 =	sld [smem:$0x3FFB];
	_ =	sdelay $0x3  }
0x92: {  	_ =	strace s18  }
0x93: {  	s3 =	sld [smem:$0x3FFC];
	_ =	sdelay $0x3  }
0x94: {  	_ =	strace s3  }
0x95: {  	s3 =	sld [smem:$0x3FFD];
	_ =	sdelay $0x3  }
0x96: {  	_ =	strace s3  }
0x97: {  	_ =	strace $0x8FFFFFFF  }
0x98: {  	s19 =	sld [smem:$0x3FDB];
	_ =	sdelay $0x1  }
0x99: {  	s4 =	simm.s32 $_scs_section_size  }
0x9a: {  	s5 =	simm.s32 $_size__tile_overlayer_lowered;
	s6 =	simm.s32 $_tile_overlayer_lowered  }
0x9b: {  	s22 =	simm.s32 $0x1BFF;
	s21 =	sshll.u32 s6, $0x1;
	s3 =	sadd.s32 s4, s19  }
0x9c: {  	s7 =	simm.s32 $0x0;
	s20 =	sshll.u32 s5, $0x1;
	s5 =	sadd.s32 s21, s3  }
0x9d: {  	[timem:s7], [sflag:s22] =	dma.local [hbm:s5], s20  }
0x9e: {  	_ =	swait.ge [sflag:s22], s20  }
0x9f: {  	s4 =	ssub.s32 $0x0, s20;
	[sflag:s22] =	ssyncset.done $0x0  }
0xa0: {  	[sflag:s22] =	ssyncadd.s32 s4;
	_ =	sdelay $0x1  }
0xa1: {  	s23 =	simm.s32 $0x1B8B  }
0xa2: {  	_ =	swait.ge [sflag:s23], $0x1  }
0xa3: {  	[sflag:s23] =	ssyncset.done $0x0  }
0xa4: {  	s25 =	simm.s32 $0x1B8E;
	s24 =	sld [smem:$0x3FFE];
	[sflag:s23] =	ssyncadd.s32 $0xFFFFFFFF  }
0xa5: {  	s26 =	simm.s32 $execute0_lowered;
	[smem:$0x3FD2] =	sst s25  }
0xa6: {  	s5 =	sshll.u32 s26, $0x1;
	_ =	strace $0x80000046;
	[dreg:$0x1] =	wrdreg $0xFFFFFFFF  }
0xa7: {  	s28 =	simm.s32 $_size_execute0_lowered;
	s3 =	sadd.s32 s3, s5;
	[dreg:$0x0] =	wrdreg $0x0  }
0xa8: {  	s5 =	sshll.u32 s28, $0x1;
	[dreg:$0x2] =	wrdreg s3  }
0xa9: {  	[dreg:$0x3] =	wrdreg s5  }
0xaa: {  	[dreg:$0x4] =	wrdreg $0xC0  }
0xab: {  	_ =	task [dreg:s7], $0x5FFFF  }
0xac: {  	[dreg:$0x1] =	wrdreg $0xFFFFFFFF  }
0xad: {  	[dreg:$0x0] =	wrdreg $0x60  }
0xae: {  	[dreg:$0x2] =	wrdreg s24  }
0xaf: {  	[dreg:$0x3] =	wrdreg s2  }
0xb0: {  	[dreg:$0x4] =	wrdreg $0x9  }
0xb1: {  	_ =	task.clear_ibuf [dreg:s7], $0x5FFFF;
	_ =	strace $0x90000046  }
0xb2: {  	s29 =	simm.s32 $0x9;
	_ =	strace $0x80000048  }
0xb3: {  	_ =	swait.ge [sflag:s29], $0x1  }
0xb4: {  	[sflag:s29] =	ssyncadd.s32 $0xFFFFFFFF  }
0xb5: {  	_ =	strace $0x90000048  }
0xb6: {  	_ =	sfence  }
0xb7: {  	s30 =	sld [smem:$0x0];
	_ =	sdelay $0x2  }
0xb8: {  	s31 =	sshll.u32 s1, $0xD;
	s1 =	sshrl.u32 s1, $0x2  }
0xb9: {  	s3 =	sand.u32 $0x4000, s31;
	s1 =	sadd.s32 s1, s30  }
0xba: {  	s0 =	sor.u32 s3, s0;
	s1 =	sshll.u32 s1, $0x11  }
0xbb: {  	s0 =	sor.u32 s1, s0  }
0xbc: {  	s0 =	sadd.s32 $0x8F2B, s0  }
0xbd: {  	[sflag:s0] =	ssyncadd.remote.s32 $0x1  }
0xbe: {  	_ =	sfence.sel $0xFFFF  }
0xbf: {  	[dreg:$0x0] =	wrdreg $0xFFFFFFFF;
	(pc) =	sbr.abs _section_cstart, $3  }
0xc0: {  	[dreg:$0x1] =	wrdreg $0xFFFFFFFF  }
0xc1: {  	_ =	task.clear_ibuf [dreg:s7], $0x2FFFF;
	_ =	strace $0x9FFFFFFF  }
0xc2: {  	(tm) =	ssettm $0x7FFFFFFF  }
0xc3: {  	_ =	shalt  }
tec
execute0_lowered:
.L_overlay_start_1:
0x0: {  	(tag) =	ssettag $0x1  }
0x1: {  	s6 =	rddreg [dreg:$0x0];
	s1 =	srdreg.scid  }
0x2: {  	s0 =	stileid.u32;
	s2 =	rddreg [dreg:$0x1]  }
0x3: {  	s3 =	simm.s32 $0x0;
	s10 =	simm.s32 $0x1900;
	s11 =	simm.s32 $0x50  }
0x4: {  	s12 =	simm.s32 $0x4B00;
	s13 =	simm.s32 $0x5F00;
	s14 =	simm.s32 $0x7300  }
0x5: {  	s15 =	simm.s32 $0x8700;
	s5 =	sand.u32 $0x1, s1;
	s4 =	sshll.u32 s0, $0x1  }
0x6: {  	s16 =	simm.s32 $0x9B00;
	s17 =	simm.s32 $0x1;
	s4 =	sor.u32 s5, s4  }
0x7: {  	s18 =	simm.s32 $0x0;
	[smem:$0x7FF] =	sst s3;
	s4 =	smul.u32 $0x1900, s4  }
0x8: {  	s1 =	rddreg [dreg:$0x2];
	_ =	strace $0x80000047;
	s7 =	ssub.s32 $0x2, s5  }
0x9: {  	s5 =	sadd.s32 $0xF43000, s6;
	s9 =	sshrl.u32 s7, $0x1;
	s8 =	sshrl.u32 s4, $0x3  }
0xa: {  	s9 =	ssub.s32 s7, s9;
	s8 =	sadd.s32 s8, s6;
	s6 =	sadd.s32 $0x7000, s6  }
0xb: {  	s7 =	sadd.s32 $0xC00, s8;
	s8 =	smax.u32 s9, $0x1;
	s9 =	simm.s32 $0x2  }
.LBB2_1:
0xc: {  	[tilespmem:s3], [sflag:$0x2] =	stream.linear.gather [hbm4b:s7+s3], $0x1900, $0x38;
	[tilespmem:$0xAF00] =	vst v63  }
0xd: {  	_ =	swait.ge [sflag:s9], $0x1900  }
0xe: {  	[sflag:s9] =	ssyncset.done $0x0  }
0xf: {  	[sflag:s9] =	ssyncadd.s32 $0xFFFFE700  }
0x10: {  	[tilespmem:s10], [sflag:$0x2] =	stream.linear.gather [hbm4b:s6+s3], $0x3200, $0x38;
	[tilespmem:$0xAF00] =	vst v63  }
0x11: {  	_ =	swait.ge [sflag:s9], $0x3200  }
0x12: {  	[sflag:s9] =	ssyncset.done $0x0  }
0x13: {  	s19 =	simm.s32 $0x0;
	[sflag:s9] =	ssyncadd.s32 $0xFFFFCE00  }
.LBB2_2:
0x14: {  	s20 =	smul.u32 $0x190, s19;
	_ =	sdelay $0x1  }
0x15: {  	[tilespmem:s12], [sflag:$0x1] =	stream.indirect.gather [hbm4b:s5+s11], $0x40, s20, s11, $0xb8;
	[tilespmem:$0xAF00] =	vst v63  }
0x16: {  	s21 =	sadd.s32 $0x50, s20  }
0x17: {  	[tilespmem:s13], [sflag:$0x1] =	stream.indirect.gather [hbm4b:s5+s11], $0x40, s21, s11, $0xb8;
	[tilespmem:$0xAF00] =	vst v63  }
0x18: {  	s29 =	sadd.s32 $0xA0, s20  }
0x19: {  	[tilespmem:s14], [sflag:$0x1] =	stream.indirect.gather [hbm4b:s5+s11], $0x40, s29, s11, $0xb8;
	[tilespmem:$0xAF00] =	vst v63  }
0x1a: {  	s30 =	sadd.s32 $0xF0, s20  }
0x1b: {  	[tilespmem:s15], [sflag:$0x1] =	stream.indirect.gather [hbm4b:s5+s11], $0x40, s30, s11, $0xb8;
	[tilespmem:$0xAF00] =	vst v63  }
0x1c: {  	s31 =	sadd.s32 $0x140, s20  }
0x1d: {  	[tilespmem:s16], [sflag:$0x1] =	stream.indirect.gather [hbm4b:s5+s11], $0x40, s31, s11, $0xb8;
	[tilespmem:$0xAF00] =	vst v63  }
0x1e: {  	_ =	swait.ge [sflag:s17], $0x1400  }
0x1f: {  	[sflag:s17] =	ssyncset.done $0x0  }
0x20: {  	[sflag:s17] =	ssyncadd.s32 $0xFFFFEC00  }
0x21: {  	_ =	swait.ge [sflag:s17], $0x1400  }
0x22: {  	[sflag:s17] =	ssyncset.done $0x0  }
0x23: {  	[sflag:s17] =	ssyncadd.s32 $0xFFFFEC00  }
0x24: {  	_ =	swait.ge [sflag:s17], $0x1400  }
0x25: {  	[sflag:s17] =	ssyncset.done $0x0  }
0x26: {  	[sflag:s17] =	ssyncadd.s32 $0xFFFFEC00  }
0x27: {  	_ =	swait.ge [sflag:s17], $0x1400  }
0x28: {  	[sflag:s17] =	ssyncset.done $0x0  }
0x29: {  	[sflag:s17] =	ssyncadd.s32 $0xFFFFEC00  }
0x2a: {  	_ =	swait.ge [sflag:s17], $0x1400  }
0x2b: {  	[sflag:s17] =	ssyncset.done $0x0  }
0x2c: {  	s21 =	simm.s32 $0x0;
	[sflag:s17] =	ssyncadd.s32 $0xFFFFEC00  }
0x2d: {  	v3 =	vld [tilespmem:s21+$0x1900]  }
0x2e: {  	v1 =	vld [tilespmem:s21+$0x1910]  }
0x2f: {  	v0 =	vld [tilespmem:s21+$0x1920]  }
0x30: {  	v2 =	vld [tilespmem:s21+$0x1930]  }
0x31: {  	v8 =	vld [tilespmem:s21+$0x4B00]  }
0x32: {  	v10 =	vld [tilespmem:s21+$0x7D00]  }
0x33: {  	v7 =	vld [tilespmem:s21+$0x4B10]  }
0x34: {  	v6 =	vld [tilespmem:s21+$0x7D10]  }
0x35: {  	v4 =	vld [tilespmem:s21+$0x4B20]  }
0x36: {  	v5 =	vld [tilespmem:s21+$0x7D20];
	v9 =	vadd.f32 v8, v3  }
0x37: {  	s22 =	simm.s32 $0x100;
	v8 =	vadd.f32 v10, v3;
	v3 =	vld [tilespmem:s21+$0x4B30]  }
.LBB2_3:
0x38: {  	s23 =	sshra.s32 s22, $0x2;
	p0 =	sne.s32 s22, $0xC700;
	[tilespmem:s21+$0x4B00] =	vst v9;
	v7 =	vadd.f32 v7, v1;
	v9 =	vld [tilespmem:s21+$0x7D30]  }
0x39: {  	v10 =	vld [tilespmem:s23+$0x1900];
	[tilespmem:s21+$0x7D00] =	vst v8;
	v6 =	vadd.f32 v6, v1  }
0x3a: {  	v1 =	vld [tilespmem:s23+$0x1910];
	[tilespmem:s21+$0x4B10] =	vst v7;
	v4 =	vadd.f32 v4, v0  }
0x3b: {  	[tilespmem:s21+$0x7D10] =	vst v6;
	v5 =	vadd.f32 v5, v0;
	v0 =	vld [tilespmem:s23+$0x1920]  }
0x3c: {  	v8 =	vld [tilespmem:s23+$0x1930];
	[tilespmem:s21+$0x4B20] =	vst v4;
	v3 =	vadd.f32 v3, v2  }
0x3d: {  	v11 =	vld [tilespmem:s23+$0x4B00];
	[tilespmem:s21+$0x7D20] =	vst v5;
	v2 =	vadd.f32 v9, v2  }
0x3e: {  	v12 =	vld [tilespmem:s23+$0x7D00];
	[tilespmem:s21+$0x4B30] =	vst v3  }
.Ltmp0:
0x3f: {  	v7 =	vld [tilespmem:s23+$0x4B10];
	[tilespmem:s21+$0x7D30] =	vst v2;
	s21 =	smov.u32 s23;
	(pc) =	sbr.rel @p0 .LBB2_3-.Ltmp0, $4  }
0x40: {  	v6 =	vld [tilespmem:s21+$0x7D10]  }
0x41: {  	v4 =	vld [tilespmem:s21+$0x4B20];
	v2 =	vmov v8  }
0x42: {  	v9 =	vadd.f32 v11, v10;
	v5 =	vld [tilespmem:s21+$0x7D20]  }
0x43: {  	s22 =	sadd.s32 $0x100, s22;
	v8 =	vadd.f32 v12, v10;
	v3 =	vld [tilespmem:s21+$0x4B30]  }
0x44: {  	[tilespmem:s21+$0x4B00] =	vst v9;
	v7 =	vadd.f32 v7, v1;
	v59 =	vld [tilespmem:s21+$0x7D30]  }
0x45: {  	[tilespmem:s21+$0x7D00] =	vst v8;
	v60 =	vadd.f32 v6, v1  }
0x46: {  	[tilespmem:s21+$0x4B10] =	vst v7;
	v4 =	vadd.f32 v4, v0  }
0x47: {  	[tilespmem:s21+$0x7D10] =	vst v60;
	v61 =	vadd.f32 v5, v0  }
0x48: {  	[tilespmem:s21+$0x4B20] =	vst v4;
	v62 =	vadd.f32 v3, v2  }
0x49: {  	s20 =	sadd.s32 s4, s20;
	s19 =	sadd.s32 $0x1, s19;
	[tilespmem:s21+$0x7D20] =	vst v61;
	v63 =	vadd.f32 v59, v2  }
0x4a: {  	s20 =	sshll.u32 s20, $0x3;
	p0 =	sne.s32 s19, $0x10;
	[tilespmem:s21+$0x4B30] =	vst v62  }
.Ltmp1:
0x4b: {  	s20 =	sadd.s32 s2, s20;
	[tilespmem:s21+$0x7D30] =	vst v63;
	(pc) =	sbr.rel @p0 .LBB2_2-.Ltmp1, $4  }
0x4c: {  	[hbm4b:s20+s3] =	stream.linear.scatter [tilespmem:s12], [sflag:$0x2], $0x6400, $0x38;
	[tilespmem:$0xAF00] =	vst v63  }
0x4d: {  	_ =	swait.ge [sflag:s9], $0x6400  }
0x4e: {  	[sflag:s9] =	ssyncset.done $0x0  }
0x4f: {  	[sflag:s9] =	ssyncadd.s32 $0xFFFF9C00  }
0x50: {  	s18 =	sadd.s32 $0x1, s18  }
0x51: {  	p0 =	sne.s32 s18, s8  }
.Ltmp2:
0x52: {  	_ = 	snop;
	(pc) =	sbr.rel @p0 .LBB2_1-.Ltmp2, $1  }
0x53: {  	_ =	sdelay $0x3  }
0x54: {  	_ =	sfence.sel $0x180000  }
0x55: {  	[bflag:$0x0] =	sbarrier.arrive $0xFFFF  }
0x56: {  	p0 =	sne.s32 s0, $0x0;
	_ =	strace $0x90000047  }
0x57: {  	s0 =	sadd.s32 @!p0 $0x100000, s1;
	[bflag:$0x2] =	sbarrier.arrive $0xFFFF  }
0x58: {  	[sflag:s0] =	ssyncadd.tile.s32 @!p0 $0x1;
	_ =	shalt  }
.Lfunc_end2:
_tile_overlayer_lowered:
.L_overlay_start_2:
0x59: {  	(tag) =	ssettag $0x2  }
0x5a: {  	s0 =	rddreg [dreg:$0x0];
	s2 =	stileid.u32  }
0x5b: {  	s1 =	rddreg [dreg:$0x1];
	p0 =	sne.s32 s2, $0x0  }
0x5c: {  	s3 =	rddreg [dreg:$0x2];
	[bflag:$0x3] =	sbarrier.arrive $0xFFFF;
	s2 =	simm.s32 @!p0 $0x1C02  }
0x5d: {  	[timem:s3], [sflag:s2] =	dma.local @!p0 [hbm:s0], s1  }
0x5e: {  	s0 =	simm.s32 @!p0 $0x2  }
0x5f: {  	_ =	swait.ge @!p0 [sflag:s0], s1  }
0x60: {  	s1 =	ssub.s32 @!p0 $0x0, s1;
	[sflag:s0] =	ssyncset.done @!p0 $0x0  }
0x61: {  	[sflag:s0] =	ssyncadd.s32 @!p0 s1  }
0x62: {  	[bflag:$0x3] =	sbarrier.arrive $0xFFFF  }
0x63: {  	_ =	shalt  }

// kernel: sparse-core-data-format-call.cloned.1.call-start
scs
called_computation_lowered:
.L_overlay_start_0:
0x0: {  	s2 =	sld [smem:$0x3FD9]  }
0x1: {  	s3 =	sld [smem:$0x3FFE];
	_ =	sdelay $0x1  }
0x2: {  	s1 =	srdreg.scid  }
0x3: {  	s0 =	sand.u32 $0x1, s1  }
0x4: {  	s18 =	sshll.u32 s0, $0xA;
	s2 =	sadd.s32 s3, s2  }
0x5: {  	s2 =	sadd.s32 s2, s18  }
0x6: {  	[smem:$0x3FC6] =	sst s2  }
0x7: {  	_ = 	snop  }
0x8: {  	s2 =	sld [smem:$0x3FD0];
	(tm) =	ssettm $0x1  }
0x9: {  	s19 =	sld [smem:$0x3FFB];
	_ =	sdelay $0x3  }
0xa: {  	_ =	strace s19  }
0xb: {  	s3 =	sld [smem:$0x3FFC];
	_ =	sdelay $0x3  }
0xc: {  	_ =	strace s3  }
0xd: {  	s3 =	sld [smem:$0x3FFD];
	_ =	sdelay $0x3  }
0xe: {  	_ =	strace s3  }
0xf: {  	_ =	strace $0x8FFFFFFF  }
0x10: {  	s20 =	sld [smem:$0x3FDB];
	_ =	sdelay $0x1  }
0x11: {  	s4 =	simm.s32 $_scs_section_size  }
0x12: {  	s5 =	simm.s32 $_size__tile_overlayer_lowered;
	s6 =	simm.s32 $_tile_overlayer_lowered  }
0x13: {  	s23 =	simm.s32 $0x1BFF;
	s22 =	sshll.u32 s6, $0x1;
	s3 =	sadd.s32 s4, s20  }
0x14: {  	s7 =	simm.s32 $0x0;
	s21 =	sshll.u32 s5, $0x1;
	s5 =	sadd.s32 s22, s3  }
0x15: {  	[timem:s7], [sflag:s23] =	dma.local [hbm:s5], s21  }
0x16: {  	_ =	swait.ge [sflag:s23], s21  }
0x17: {  	s4 =	ssub.s32 $0x0, s21;
	[sflag:s23] =	ssyncset.done $0x0  }
0x18: {  	[sflag:s23] =	ssyncadd.s32 s4;
	_ =	sdelay $0x1  }
0x19: {  	s24 =	simm.s32 $0x1B8B  }
0x1a: {  	_ =	swait.ge [sflag:s24], $0x1  }
0x1b: {  	[sflag:s24] =	ssyncset.done $0x0  }
0x1c: {  	s26 =	simm.s32 $0x1B8E;
	s25 =	sld [smem:$0x3FFE];
	[sflag:s24] =	ssyncadd.s32 $0xFFFFFFFF  }
0x1d: {  	s27 =	simm.s32 $execute0_lowered;
	[smem:$0x3FD2] =	sst s26  }
0x1e: {  	s5 =	sshll.u32 s27, $0x1;
	_ =	strace $0x80000049;
	[dreg:$0x1] =	wrdreg $0xFFFFFFFF  }
0x1f: {  	s28 =	simm.s32 $_size_execute0_lowered;
	s3 =	sadd.s32 s3, s5;
	[dreg:$0x0] =	wrdreg $0x0  }
0x20: {  	s5 =	sshll.u32 s28, $0x1;
	[dreg:$0x2] =	wrdreg s3  }
0x21: {  	[dreg:$0x3] =	wrdreg s5  }
0x22: {  	[dreg:$0x4] =	wrdreg $0xC0  }
0x23: {  	_ =	task [dreg:s7], $0x5FFFF  }
0x24: {  	[dreg:$0x1] =	wrdreg $0xFFFFFFFF  }
0x25: {  	[dreg:$0x0] =	wrdreg $0x60  }
0x26: {  	[dreg:$0x2] =	wrdreg s25  }
0x27: {  	[dreg:$0x3] =	wrdreg s2  }
0x28: {  	[dreg:$0x4] =	wrdreg $0x9  }
0x29: {  	_ =	task.clear_ibuf [dreg:s7], $0x5FFFF;
	_ =	strace $0x90000049  }
0x2a: {  	s29 =	simm.s32 $0x9;
	_ =	strace $0x8000004B  }
0x2b: {  	_ =	swait.ge [sflag:s29], $0x1  }
0x2c: {  	[sflag:s29] =	ssyncadd.s32 $0xFFFFFFFF  }
0x2d: {  	_ =	strace $0x9000004B  }
0x2e: {  	_ =	sfence  }
0x2f: {  	s30 =	sld [smem:$0x0];
	_ =	sdelay $0x2  }
0x30: {  	s31 =	sshll.u32 s1, $0xD;
	s1 =	sshrl.u32 s1, $0x2  }
0x31: {  	s3 =	sand.u32 $0x4000, s31;
	s1 =	sadd.s32 s1, s30  }
0x32: {  	s0 =	sor.u32 s3, s0;
	s1 =	sshll.u32 s1, $0x11  }
0x33: {  	s0 =	sor.u32 s1, s0  }
0x34: {  	s0 =	sadd.s32 $0x8F2B, s0  }
0x35: {  	[sflag:s0] =	ssyncadd.remote.s32 $0x1  }
0x36: {  	_ =	sfence.sel $0xFFFF  }
0x37: {  	[dreg:$0x0] =	wrdreg $0xFFFFFFFF;
	(pc) =	sbr.abs _section_cstart, $3  }
0x38: {  	[dreg:$0x1] =	wrdreg $0xFFFFFFFF  }
0x39: {  	_ =	task.clear_ibuf [dreg:s7], $0x2FFFF;
	_ =	strace $0x9FFFFFFF  }
0x3a: {  	(tm) =	ssettm $0x7FFFFFFF  }
0x3b: {  	_ =	shalt  }
tec
execute0_lowered:
.L_overlay_start_1:
0x0: {  	(tag) =	ssettag $0x1  }
0x1: {  	s0 =	stileid.u32;
	s6 =	rddreg [dreg:$0x0]  }
0x2: {  	s2 =	rddreg [dreg:$0x1];
	s5 =	srdreg.scid  }
0x3: {  	s31 =	simm.s32 $0x2;
	s13 =	simm.s32 $0x0;
	s1 =	sshll.u32 s0, $0x7  }
0x4: {  	s14 =	simm.s32 $0x0;
	s12 =	simm.s32 $0x0;
	s3 =	sand.u32 $0x380, s1  }
0x5: {  	s5 =	sshll.u32 s5, $0x4;
	s6 =	sadd.s32 $0xC00, s6;
	s4 =	ssub.s32 $0x400, s3  }
0x6: {  	s1 =	rddreg [dreg:$0x2];
	_ =	strace $0x8000004A;
	s7 =	sand.u32 $0x380, s4  }
0x7: {  	s5 =	sand.u32 $0x10, s5;
	p0 =	sne.s32 s7, $0x0;
	s7 =	simm.s32 $0x1  }
.Ltmp0:
0x8: {  	s8 =	sshrl.u32 s4, $0xA;
	s7 =	simm.s32 @!p0 $0x0;
	(pc) =	sbr.rel .LBB1_1-.Ltmp0, $4  }
0x9: {  	s9 =	sor.u32 s0, s5;
	s4 =	simm.s32 $0x1;
	s30 =	sadd.s32 s7, s8  }
0xa: {  	s11 =	smov.u32 s3;
	[sflag:s4] =	ssyncpa.u1 $0x0;
	s5 =	smul.u32 $0x32, s30  }
0xb: {  	[sflag:s31] =	ssyncpa.u1 $0x0;
	p0 =	por $0x0, $0x0;
	s7 =	sshrl.u32 s9, $0x3  }
0xc: {  	s9 =	simm.s32 $0x2000;
	s10 =	smov.u32 s7;
	s8 =	sor.u32 $0x1, s5  }
.LBB1_4:
0xd: {  	s17 =	sand.u32 $0x1F80, s14;
	s13 =	sshll.u32 s13, $0xD  }
0xe: {  	[tilespmem:s16+$0x810 ss:$0x81] =	vst.msk $0xffff, v2;
	s18 =	sshrl.u32 s14, $0x3;
	s31 =	sand.u32 $0x7, s14;
	s17 =	sadd.s32 s2, s17  }
0xf: {  	[tilespmem:s16+$0x1020 ss:$0x81] =	vst.msk $0xffff, v0;
	s18 =	sand.u32 $0xF, s18;
	s14 =	sshll.u32 s31, $0x12;
	s13 =	sadd.s32 s13, s17  }
0x10: {  	[tilespmem:s16+$0x0 ss:$0x81] =	vst.msk $0xffff, v1;
	s14 =	sor.u32 $0x400, s14;
	s13 =	sadd.s32 s18, s13  }
0x11: {  	[hbm4b:s13+s14] =	stream.strided.scatter [tilespmem:s15], [sflag:$0x2], $0x2000, s9, s14, $0x20;
	[tilespmem:$0x8080] =	vst v63  }
.LBB1_5:
0x12: {  	s15 =	sadd.s32 $0x4, s10  }
0x13: {  	s13 =	sadd.s32 $0x400, s11;
	s17 =	smov.u32 s11;
	p2 =	sgt.s32 s15, $0xC7  }
0x14: {  	s17 =	smov.u32 @p2 s13  }
0x15: {  	s15 =	smov.u32 @p2 s7;
	p2 =	sgt.s32 s17, $0x3FF  }
0x16: {  	s17 =	smov.u32 @p2 s3;
	p2 =	sne.s32 s12, s8  }
.Ltmp1:
0x17: {  	p1 =	slt.u32 s12, $0x2;
	(pc) =	sbr.rel @!p2 .LBB1_6-.Ltmp1, $4  }
0x18: {  	s16 =	simm.s32 @!p1 $0x2  }
0x19: {  	s14 =	smov.u32 s11;
	p0 =	por !p0, !p0;
	_ =	swait.ge @!p1 [sflag:s16], $0x2000  }
0x1a: {  	s13 =	smov.u32 s10;
	[sflag:s16] =	ssyncset.done @!p1 $0x0;
	s10 =	smov.u32 s15  }
0x1b: {  	s12 =	sadd.s32 $0x1, s12;
	[sflag:s16] =	ssyncadd.s32 @!p1 $0xFFFFE000;
	s11 =	smov.u32 s17  }
.LBB1_1:
0x1c: {  	p1 =	sge.u32 s12, s5  }
0x1d: {  	s15 =	sand.u32 @!p1 $0x1FFFFFF, s10  }
0x1e: {  	s16 =	smulhi.u32 @!p1 $0x147AE15, s15;
	_ =	sdelay $0x1  }
0x1f: {  	s16 =	smul.u32 @!p1 $0xC8, s16  }
0x20: {  	s17 =	sxor.u32 @!p1 $0xFFFFFFFF, s12;
	s18 =	smul.u32 @!p1 $0xC80, s11  }
0x21: {  	s31 =	sadd.s32 $0xFFFFFFFF, s12;
	s17 =	sshll.u32 @!p1 s17, $0xD;
	s15 =	ssub.s32 @!p1 s15, s16  }
0x22: {  	s16 =	sand.u32 @!p1 $0x2000, s17;
	s17 =	sadd.s32 @!p1 s6, s18;
	s15 =	sshll.u32 @!p1 s15, $0x4  }
0x23: {  	s18 =	simm.s32 @!p1 $0x6400;
	s15 =	sadd.s32 @!p1 s15, s17;
	s17 =	simm.s32 @!p1 $0x40  }
0x24: {  	[tilespmem:s16], [sflag:$0x1] =	stream.strided.gather @!p1 [hbm4b:s15+s17], $0x2000, s18, s17, $0x38;
	[tilespmem:$0x8080] =	vst v63  }
0x25: {  	p1 =	sge.u32 s31, s5  }
.Ltmp2:
0x26: {  	_ = 	snop;
	(pc) =	sbr.rel @p1 .LBB1_5-.Ltmp2, $1  }
0x27: {  	_ =	sdelay $0x3  }
0x28: {  	s15 =	simm.s32 $0x1  }
0x29: {  	_ =	swait.ge [sflag:s4], $0x2000;
	s15 =	simm.s32 @!p0 $0x0  }
0x2a: {  	[sflag:s4] =	ssyncset.done $0x0;
	s16 =	sshll.u32 s15, $0xD  }
0x2b: {  	[sflag:s4] =	ssyncadd.s32 $0xFFFFE000;
	s19 =	sor.u32 $0x20, s16  }
0x2c: {  	s15 =	smul.u32 $0x8100, s15;
	v3 =	vld [tilespmem:s19+$0x10]  }
0x2d: {  	s30 =	sand.u32 $0x1, s12;
	v2 =	vld [tilespmem:s19+$0xFFFFFFF0]  }
0x2e: {  	s16 =	smul.u32 $0x8100, s30;
	s15 =	sshrl.u32 s15, $0x2;
	v0 =	vld [tilespmem:s19+$0x0]  }
0x2f: {  	v1 =	vld [tilespmem:s19+$0xFFFFFFE0];
	s17 =	sor.u32 $0x4000, s15  }
0x30: {  	s31 =	sshrl.u32 s16, $0x2;
	s16 =	sadd.s32 $0x0, s17  }
0x31: {  	s18 =	simm.s32 $0x4;
	s19 =	sadd.s32 $0x40, s19;
	s15 =	sor.u32 $0x4000, s31;
	[tilespmem:s16+$0x1830 ss:$0x81] =	vst.msk $0xffff, v3  }
.LBB1_3:
0x32: {  	v3 =	vld [tilespmem:s19+$0x10];
	p1 =	sne.s32 s18, $0x1FC;
	[tilespmem:s16+$0x810 ss:$0x81] =	vst.msk $0xffff, v2;
	s20 =	smov.u32 s18;
	s18 =	sadd.s32 $0x4, s18  }
.Ltmp3:
0x33: {  	v2 =	vld [tilespmem:s19+$0xFFFFFFF0];
	[tilespmem:s16+$0x1020 ss:$0x81] =	vst.msk $0xffff, v0;
	(pc) =	sbr.rel @p1 .LBB1_3-.Ltmp3, $4  }
0x34: {  	v0 =	vld [tilespmem:s19+$0x0];
	[tilespmem:s16+$0x0 ss:$0x81] =	vst.msk $0xffff, v1  }
0x35: {  	s16 =	sshra.s32 s20, $0x2;
	v1 =	vld [tilespmem:s19+$0xFFFFFFE0]  }
0x36: {  	s16 =	sadd.s32 s16, s17  }
0x37: {  	s19 =	sadd.s32 $0x40, s19;
	[tilespmem:s16+$0x1830 ss:$0x81] =	vst.msk $0xffff, v3  }
.Ltmp4:
0x38: {  	_ = 	snop;
	(pc) =	sbr.rel .LBB1_4-.Ltmp4, $1  }
0x39: {  	_ =	sdelay $0x3  }
.LBB1_6:
0x3a: {  	_ =	sfence.sel $0x180000  }
0x3b: {  	s2 =	simm.s32 $0x1;
	[bflag:$0x0] =	sbarrier.arrive $0xFFFF  }
0x3c: {  	s31 =	simm.s32 $0x2;
	[sflag:s2] =	ssyncpa.u1 $0x1  }
0x3d: {  	[sflag:s31] =	ssyncpa.u1 $0x1  }
0x3e: {  	p0 =	sne.s32 s0, $0x0;
	_ =	strace $0x9000004A  }
0x3f: {  	s0 =	sadd.s32 @!p0 $0x100000, s1;
	[bflag:$0x2] =	sbarrier.arrive $0xFFFF  }
0x40: {  	[sflag:s0] =	ssyncadd.tile.s32 @!p0 $0x1;
	_ =	shalt  }
.Lfunc_end1:
_tile_overlayer_lowered:
.L_overlay_start_2:
0x41: {  	(tag) =	ssettag $0x2  }
0x42: {  	s0 =	rddreg [dreg:$0x0];
	s2 =	stileid.u32  }
0x43: {  	s1 =	rddreg [dreg:$0x1];
	p0 =	sne.s32 s2, $0x0  }
0x44: {  	s3 =	rddreg [dreg:$0x2];
	[bflag:$0x3] =	sbarrier.arrive $0xFFFF;
	s2 =	simm.s32 @!p0 $0x1C01  }
0x45: {  	[timem:s3], [sflag:s2] =	dma.local @!p0 [hbm:s0], s1  }
0x46: {  	s0 =	simm.s32 @!p0 $0x1  }
0x47: {  	_ =	swait.ge @!p0 [sflag:s0], s1  }
0x48: {  	s1 =	ssub.s32 @!p0 $0x0, s1;
	[sflag:s0] =	ssyncset.done @!p0 $0x0  }
0x49: {  	[sflag:s0] =	ssyncadd.s32 @!p0 s1  }
0x4a: {  	[bflag:$0x3] =	sbarrier.arrive $0xFFFF  }
0x4b: {  	_ =	shalt  }

</sc_bundles>
